<compile_context>
chip_gen: v7x
topology: tpu7x:2x2x1
jax: 0.10.2.dev20260603
libtpu: 0.0.44.dev20260713+nightly
codegen_flags: <defaults>
</compile_context>

<pallas_src>
import jax
import jax.numpy as jnp
from jax import lax
from jax.experimental import pallas as pl
from jax.experimental.pallas import tpu as pltpu
from jax.experimental.pallas import tpu_sc as plsc

N = 10000
E = 320000
D = 128
NC = 2
NS = 16
NT = NC * NS
EPT = E // NT
W = 125
NWIN = EPT // W
GW = 8
NQ = NWIN // GW

_mesh = plsc.VectorSubcoreMesh(
    core_axis_name="c", subcore_axis_name="s", num_cores=NC, num_subcores=NS
)


RPT = N // NS


@jax.jit
def _agg(table, idx5, z128):

  @pl.kernel(
      out_type=jax.ShapeDtypeStruct((NC, N, D), jnp.float32),
      mesh=_mesh,
      compiler_params=pltpu.CompilerParams(use_tc_tiling_on_sc=False),
      scratch_types=(
          pltpu.VMEM_SHARED((N, D), jnp.float32),
          pltpu.VMEM((2, GW, W), jnp.int32),
          pltpu.VMEM((2, GW, W), jnp.int32),
          pltpu.VMEM((W, D), jnp.float32),
          pltpu.VMEM((W, D), jnp.float32),
          pltpu.SemaphoreType.DMA,
          pltpu.SemaphoreType.DMA,
          pltpu.SemaphoreType.DMA,
          pltpu.SemaphoreType.DMA,
          pltpu.SemaphoreType.DMA,
          pltpu.SemaphoreType.DMA,
          pltpu.SemaphoreType.DMA,
      ),
  )
  def body(table_h, idx_h, z128_h, part_h, acc_sh, idx_a, idx_b,
           rows_a, rows_b, sem_a, sem_b, sem_sa, sem_sb, sem_ia, sem_ib,
           sem_z):
    c = lax.axis_index("c")
    s = lax.axis_index("s")
    t = c * NS + s
    rb = s * RPT

    pltpu.async_copy(z128_h.at[pl.ds(rb, RPT)], acc_sh.at[pl.ds(rb, RPT)],
                     sem_z)
    pltpu.async_copy(idx_h.at[t, 0], idx_a, sem_ia)
    pltpu.async_copy(idx_h.at[t, 1], idx_b, sem_ib)

    def start(ib, w, buf, sem):
      pltpu.async_copy(table_h.at[ib.at[0, w]], buf, sem)

    def wait_gather(ib, w, buf, sem):
      pltpu.make_async_copy(table_h.at[ib.at[0, w]], buf, sem).wait()

    def scat(ib, w, buf, ssem):
      pltpu.async_copy(buf, acc_sh.at[ib.at[1, w]], ssem, add=True)

    def wait_scat(ib, w, buf, ssem):
      pltpu.make_async_copy(buf, acc_sh.at[ib.at[1, w]], ssem).wait()

    pltpu.make_async_copy(idx_h.at[t, 0], idx_a, sem_ia).wait()
    start(idx_a, 0, rows_a, sem_a)
    start(idx_a, 1, rows_b, sem_b)
    pltpu.make_async_copy(z128_h.at[pl.ds(rb, RPT)],
                          acc_sh.at[pl.ds(rb, RPT)], sem_z).wait()
    plsc.subcore_barrier()

    def process_group(ib, nb, cond_next, wait_next_idx, next_q):

      @pl.loop(0, GW // 2 - 1)
      def _(k):
        w = 2 * k
        wait_gather(ib, w, rows_a, sem_a)
        scat(ib, w, rows_a, sem_sa)
        wait_gather(ib, w + 1, rows_b, sem_b)
        scat(ib, w + 1, rows_b, sem_sb)
        wait_scat(ib, w, rows_a, sem_sa)
        start(ib, w + 2, rows_a, sem_a)
        wait_scat(ib, w + 1, rows_b, sem_sb)
        start(ib, w + 3, rows_b, sem_b)

      w = GW - 2
      wait_gather(ib, w, rows_a, sem_a)
      scat(ib, w, rows_a, sem_sa)
      wait_gather(ib, w + 1, rows_b, sem_b)
      scat(ib, w + 1, rows_b, sem_sb)
      wait_scat(ib, w, rows_a, sem_sa)

      @pl.when(cond_next)
      def _():
        if wait_next_idx:
          pltpu.make_async_copy(idx_h.at[t, next_q], nb, sem_ia).wait()
        start(nb, 0, rows_a, sem_a)

      wait_scat(ib, w + 1, rows_b, sem_sb)

      @pl.when(cond_next)
      def _():
        start(nb, 1, rows_b, sem_b)

    @pl.loop(0, NQ, step=2)
    def _(q):
      pltpu.make_async_copy(idx_h.at[t, q + 1], idx_b, sem_ib).wait()
      process_group(idx_a, idx_b, True, False, 0)

      @pl.when(q + 2 < NQ)
      def _():
        pltpu.async_copy(idx_h.at[t, q + 2], idx_a, sem_ia)

      process_group(idx_b, idx_a, q + 2 < NQ, True, q + 2)

      @pl.when(q + 3 < NQ)
      def _():
        pltpu.async_copy(idx_h.at[t, q + 3], idx_b, sem_ib)

    plsc.subcore_barrier()
    pltpu.sync_copy(acc_sh.at[pl.ds(rb, RPT)],
                    part_h.at[c, pl.ds(rb, RPT)])

  return body(table, idx5, z128)


DW = 16


@jax.jit
def _deg(dst3, z16, ones16):

  @pl.kernel(
      out_type=jax.ShapeDtypeStruct((NC, N, DW), jnp.float32),
      mesh=_mesh,
      compiler_params=pltpu.CompilerParams(use_tc_tiling_on_sc=False),
      scratch_types=(
          pltpu.VMEM_SHARED((N, DW), jnp.float32),
          pltpu.VMEM((GW, W), jnp.int32),
          pltpu.VMEM((W, DW), jnp.float32),
      ),
  )
  def body(didx_h, z16_h, ones_h, degpart_h, deg_sh, didx_v, ones_v):
    c = lax.axis_index("c")
    s = lax.axis_index("s")
    t = c * NS + s

    @pl.when(s == 0)
    def _():
      pltpu.sync_copy(z16_h, deg_sh)

    pltpu.sync_copy(ones_h, ones_v)
    plsc.subcore_barrier()

    @pl.loop(0, NQ)
    def _(q):
      pltpu.sync_copy(didx_h.at[t, q], didx_v)

      @pl.loop(0, GW)
      def _(w):
        pltpu.sync_copy(ones_v, deg_sh.at[didx_v.at[w]], add=True)

    plsc.subcore_barrier()

    @pl.when(s == 0)
    def _():
      pltpu.sync_copy(deg_sh, degpart_h.at[c])

  return body(dst3, z16, ones16)


BR = 1000


def _make_layer(relu: bool):
  def body(h_ref, a0_ref, a1_ref, d0_ref, d1_ref, ws_ref, wn_ref, b_ref, o_ref):
    deg = jnp.maximum(d0_ref[0, :, 0:1] + d1_ref[0, :, 0:1], 1.0)
    hn = (a0_ref[0] + a1_ref[0]) / deg
    dn = (((1,), (1,)), ((), ()))
    out = lax.dot_general(h_ref[...], ws_ref[...], dn,
                          preferred_element_type=jnp.float32)
    out = out + lax.dot_general(hn, wn_ref[...], dn,
                                preferred_element_type=jnp.float32)
    out = out + b_ref[...]
    if relu:
      out = jnp.maximum(out, 0.0)
    o_ref[...] = out

  @jax.jit
  def layer(h, part, degpart, w_self, w_neigh, b):
    return pl.pallas_call(
        body,
        out_shape=jax.ShapeDtypeStruct((N, D), jnp.float32),
        grid=(N // BR,),
        in_specs=[
            pl.BlockSpec((BR, D), lambda i: (i, 0)),
            pl.BlockSpec((1, BR, D), lambda i: (0, i, 0)),
            pl.BlockSpec((1, BR, D), lambda i: (1, i, 0)),
            pl.BlockSpec((1, BR, DW), lambda i: (0, i, 0)),
            pl.BlockSpec((1, BR, DW), lambda i: (1, i, 0)),
            pl.BlockSpec((D, D), lambda i: (0, 0)),
            pl.BlockSpec((D, D), lambda i: (0, 0)),
            pl.BlockSpec((1, D), lambda i: (0, 0)),
        ],
        out_specs=pl.BlockSpec((BR, D), lambda i: (i, 0)),
    )(h, part, part, degpart, degpart, w_self, w_neigh, b)

  return layer


_layer_relu = _make_layer(True)
_layer_last = _make_layer(False)


def kernel(feat, edge_index,
           W_self0, W_neigh0, b0,
           W_self1, W_neigh1, b1,
           W_self2, W_neigh2, b2,
           W_self3, W_neigh3, b3):
  src3 = edge_index[0].astype(jnp.int32).reshape(NT, NQ, GW, W)
  dst3 = edge_index[1].astype(jnp.int32).reshape(NT, NQ, GW, W)
  idx5 = jnp.stack([src3, dst3], axis=2)
  z128 = jnp.zeros((N, D), jnp.float32)

  degpart = _deg(dst3, jnp.zeros((N, DW), jnp.float32),
                 jnp.ones((W, DW), jnp.float32))
  part = _agg(feat, idx5, z128)
  h = _layer_relu(feat, part, degpart, W_self0, W_neigh0, b0.reshape(1, D))
  part = _agg(h, idx5, z128)
  h = _layer_relu(h, part, degpart, W_self1, W_neigh1, b1.reshape(1, D))
  part = _agg(h, idx5, z128)
  h = _layer_relu(h, part, degpart, W_self2, W_neigh2, b2.reshape(1, D))
  part = _agg(h, idx5, z128)
  h = _layer_last(h, part, degpart, W_self3, W_neigh3, b3.reshape(1, D))
  return h

# --- scband reference (transcript-rebuilt; emitter-appended) ---
"""Pipeline reference for scband-graph-sage-69733089018244 (READ-ONLY COPY).

The authoritative reference and input builder live on the scoring server;
editing this copy changes nothing except your own understanding.
"""

import jax, jax.numpy as jnp
import numpy as np

N_NODES = 10000
N_EDGES = 320000
IN_FEATS = 128
H_FEATS = 128


def _init_linear(key, out_dim, in_dim):
    scale = 1.0 / np.sqrt(in_dim)
    return jax.random.uniform(key, (out_dim, in_dim), dtype=jnp.float32, minval=-scale, maxval=scale)


def setup_inputs(seed: int = 0) -> dict:
    key = jax.random.key(seed)
    keys = jax.random.split(key, 16)
    feat = jax.random.normal(keys[0], (N_NODES, IN_FEATS), dtype=jnp.float32)
    edge_index = jax.random.randint(keys[1], (2, N_EDGES), 0, N_NODES, dtype=jnp.int64)
    # layer dims: (in, out) = (128,128), (128,128), (128,128), (128,128)
    dims = [(IN_FEATS, H_FEATS), (H_FEATS, 128), (128, H_FEATS), (H_FEATS, H_FEATS)]
    params = {}
    for i, (din, dout) in enumerate(dims):
        params[f"W_self{i}"] = _init_linear(keys[2 + 3 * i], dout, din)
        params[f"W_neigh{i}"] = _init_linear(keys[3 + 3 * i], dout, din)
        params[f"b{i}"] = jnp.zeros((dout,), dtype=jnp.float32)
    out = {"feat": feat, "edge_index": edge_index}
    out.update(params)
    return out


def _sage_conv_mean(h, src, dst, W_self, W_neigh, b):
    # DGL SAGEConv with 'mean' aggregator:
    #   h_neigh = mean_{u in N(v)} h_u ; rst = fc_self(h_v) + fc_neigh(h_neigh) + bias
    msg = jnp.take(h, src, axis=0)
    agg = jax.ops.segment_sum(msg, dst, num_segments=N_NODES)
    deg = jax.ops.segment_sum(jnp.ones((src.shape[0],), dtype=h.dtype), dst, num_segments=N_NODES)
    deg = jnp.clip(deg, 1.0)[:, None]
    h_neigh = agg / deg
    return h @ W_self.T + h_neigh @ W_neigh.T + b


def reference(feat, edge_index,
              W_self0, W_neigh0, b0,
              W_self1, W_neigh1, b1,
              W_self2, W_neigh2, b2,
              W_self3, W_neigh3, b3):
    src = edge_index[0]
    dst = edge_index[1]
    h = _sage_conv_mean(feat, src, dst, W_self0, W_neigh0, b0)
    h = jax.nn.relu(h)
    h = _sage_conv_mean(h, src, dst, W_self1, W_neigh1, b1)
    h = jax.nn.relu(h)
    h = _sage_conv_mean(h, src, dst, W_self2, W_neigh2, b2)
    h = jax.nn.relu(h)
    h = _sage_conv_mean(h, src, dst, W_self3, W_neigh3, b3)
    return h

if __name__ == "__main__":
    import jax
    _d = setup_inputs()
    print(jax.jit(kernel)(*tuple(_d.values())))

</pallas_src>

<mosaic_0001>
#map = affine_map<(d0, d1) -> (0, 0, 0, 0)>
#map1 = affine_map<(d0, d1) -> (0, 0)>
#map2 = affine_map<(d0, d1) -> (0, 0, 0)>
module attributes {stable_mosaic.version = 14 : i64} {
  func.func @body(%arg0: i32, %arg1: i32, %arg2: memref<32x10x8x125xi32, #tpu.memory_space<hbm>>, %arg3: memref<10000x16xf32, #tpu.memory_space<hbm>>, %arg4: memref<125x16xf32, #tpu.memory_space<hbm>>, %arg5: memref<2x10000x16xf32, #tpu.memory_space<hbm>>, %arg6: memref<10000x16xf32, #tpu.memory_space<vmem_shared>>, %arg7: memref<8x125xi32, #tpu.memory_space<vmem>>, %arg8: memref<125x16xf32, #tpu.memory_space<vmem>>) attributes {dimension_semantics = [#tpu.dimension_semantics<core_parallel>, #tpu.dimension_semantics<subcore_parallel>], iteration_bounds = array<i64: 2, 16>, scalar_prefetch = 0 : i64, scratch_operands = 3 : i64, tpu.core_type = #tpu.core_type<sc_vector_subcore>, window_params = [{transform_indices = #map}, {transform_indices = #map1}, {transform_indices = #map1}, {transform_indices = #map2}]} {
    %mul3A = arith.constant 16 : i32
    %mul3A_0 = arith.muli %arg0, %mul3A : i32
    %add3A = arith.addi %mul3A_0, %arg1 : i32
    %eq3A = arith.constant 0 : i32
    %eq3A_1 = arith.cmpi eq, %arg1, %eq3A : i32
    %convert_element_type3A = arith.extui %eq3A_1 : i1 to i32
    %cond3A = arith.constant 0 : i32
    %cond3A_2 = arith.cmpi ne, %convert_element_type3A, %cond3A : i32
    scf.if %cond3A_2 {
      "tpu.region"() ({
        %run_scoped3A = tpu.sem_alloc : memref<!tpu.dma_semaphore, #tpu.memory_space<semaphore_mem>>
        tpu.enqueue_dma source(%arg3 : memref<10000x16xf32, #tpu.memory_space<hbm>>) target(%arg6 : memref<10000x16xf32, #tpu.memory_space<vmem_shared>>) target_semaphore(%run_scoped3A : memref<!tpu.dma_semaphore, #tpu.memory_space<semaphore_mem>>)
        tpu.wait_dma2 semaphore(%run_scoped3A : memref<!tpu.dma_semaphore, #tpu.memory_space<semaphore_mem>>) src(%arg3 : memref<10000x16xf32, #tpu.memory_space<hbm>>) dst(%arg6 : memref<10000x16xf32, #tpu.memory_space<vmem_shared>>)
        tpu.yield
      }) : () -> ()
    } else {
    }
    "tpu.region"() ({
      %run_scoped3A = tpu.sem_alloc : memref<!tpu.dma_semaphore, #tpu.memory_space<semaphore_mem>>
      tpu.enqueue_dma source(%arg4 : memref<125x16xf32, #tpu.memory_space<hbm>>) target(%arg8 : memref<125x16xf32, #tpu.memory_space<vmem>>) target_semaphore(%run_scoped3A : memref<!tpu.dma_semaphore, #tpu.memory_space<semaphore_mem>>)
      tpu.wait_dma2 semaphore(%run_scoped3A : memref<!tpu.dma_semaphore, #tpu.memory_space<semaphore_mem>>) src(%arg4 : memref<125x16xf32, #tpu.memory_space<hbm>>) dst(%arg8 : memref<125x16xf32, #tpu.memory_space<vmem>>)
      tpu.yield
    }) : () -> ()
    %barrier3A = arith.constant 0 : index
    tpu.barrier barrier_id(%barrier3A)
    %scan3A = arith.constant 0 : i32
    %scan3A_3 = arith.constant 10 : i32
    %scan3A_4 = arith.addi %scan3A, %scan3A_3 : i32
    %scan3A_5 = arith.constant 1 : i32
    scf.for %scan3A_13 = %scan3A to %scan3A_4 step %scan3A_5  : i32 {
      %mul3A_14 = arith.constant 1 : i32
      %mul3A_15 = arith.muli %scan3A_13, %mul3A_14 : i32
      %add3A_16 = arith.constant 0 : i32
      %add3A_17 = arith.addi %add3A_16, %mul3A_15 : i32
      "tpu.region"() ({
        %run_scoped3A = tpu.sem_alloc : memref<!tpu.dma_semaphore, #tpu.memory_space<semaphore_mem>>
        %dma_start3A = arith.constant 0 : i32
        %dma_start3A_23 = arith.constant 0 : i32
        %dma_start3A_24 = tpu.memref_slice %arg2[%add3A, %add3A_17, %dma_start3A, %dma_start3A_23] : memref<32x10x8x125xi32, #tpu.memory_space<hbm>> -> memref<1x1x8x125xi32, #tpu.memory_space<hbm>>
        %dma_start3A_25 = tpu.memref_squeeze %dma_start3A_24 : memref<1x1x8x125xi32, #tpu.memory_space<hbm>> -> memref<8x125xi32, #tpu.memory_space<hbm>>
        %dma_start3A_26 = arith.constant 0 : i32
        %dma_start3A_27 = arith.constant 0 : i32
        %dma_start3A_28 = tpu.memref_slice %arg2[%add3A, %add3A_17, %dma_start3A_26, %dma_start3A_27] : memref<32x10x8x125xi32, #tpu.memory_space<hbm>> -> memref<1x1x8x125xi32, #tpu.memory_space<hbm>>
        %dma_start3A_29 = tpu.memref_squeeze %dma_start3A_28 : memref<1x1x8x125xi32, #tpu.memory_space<hbm>> -> memref<8x125xi32, #tpu.memory_space<hbm>>
        tpu.enqueue_dma source(%dma_start3A_29 : memref<8x125xi32, #tpu.memory_space<hbm>>) target(%arg7 : memref<8x125xi32, #tpu.memory_space<vmem>>) target_semaphore(%run_scoped3A : memref<!tpu.dma_semaphore, #tpu.memory_space<semaphore_mem>>)
        %dma_wait3A = arith.constant 0 : i32
        %dma_wait3A_30 = arith.constant 0 : i32
        %dma_wait3A_31 = tpu.memref_slice %arg2[%add3A, %add3A_17, %dma_wait3A, %dma_wait3A_30] : memref<32x10x8x125xi32, #tpu.memory_space<hbm>> -> memref<1x1x8x125xi32, #tpu.memory_space<hbm>>
        %dma_wait3A_32 = tpu.memref_squeeze %dma_wait3A_31 : memref<1x1x8x125xi32, #tpu.memory_space<hbm>> -> memref<8x125xi32, #tpu.memory_space<hbm>>
        %dma_wait3A_33 = arith.constant 0 : i32
        %dma_wait3A_34 = arith.constant 0 : i32
        %dma_wait3A_35 = tpu.memref_slice %arg2[%add3A, %add3A_17, %dma_wait3A_33, %dma_wait3A_34] : memref<32x10x8x125xi32, #tpu.memory_space<hbm>> -> memref<1x1x8x125xi32, #tpu.memory_space<hbm>>
        %dma_wait3A_36 = tpu.memref_squeeze %dma_wait3A_35 : memref<1x1x8x125xi32, #tpu.memory_space<hbm>> -> memref<8x125xi32, #tpu.memory_space<hbm>>
        tpu.wait_dma2 semaphore(%run_scoped3A : memref<!tpu.dma_semaphore, #tpu.memory_space<semaphore_mem>>) src(%dma_wait3A_36 : memref<8x125xi32, #tpu.memory_space<hbm>>) dst(%arg7 : memref<8x125xi32, #tpu.memory_space<vmem>>)
        tpu.yield
      }) : () -> ()
      %scan3A_18 = arith.constant 0 : i32
      %scan3A_19 = arith.constant 8 : i32
      %scan3A_20 = arith.addi %scan3A_18, %scan3A_19 : i32
      %scan3A_21 = arith.constant 1 : i32
      scf.for %scan3A_23 = %scan3A_18 to %scan3A_20 step %scan3A_21  : i32 {
        %mul3A_24 = arith.constant 1 : i32
        %mul3A_25 = arith.muli %scan3A_23, %mul3A_24 : i32
        %add3A_26 = arith.constant 0 : i32
        %add3A_27 = arith.addi %add3A_26, %mul3A_25 : i32
        "tpu.region"() ({
          %run_scoped3A = tpu.sem_alloc : memref<!tpu.dma_semaphore, #tpu.memory_space<semaphore_mem>>
          %dma_start3A = arith.constant 0 : i32
          %dma_start3A_28 = tpu.memref_slice %arg7[%add3A_27, %dma_start3A] : memref<8x125xi32, #tpu.memory_space<vmem>> -> memref<1x125xi32, #tpu.memory_space<vmem>>
          %dma_start3A_29 = tpu.memref_squeeze %dma_start3A_28 : memref<1x125xi32, #tpu.memory_space<vmem>> -> memref<125xi32, #tpu.memory_space<vmem>>
          %dma_start3A_30 = arith.constant 0 : i32
          %dma_start3A_31 = arith.constant 0 : i32
          %dma_start3A_32 = tpu.memref_slice %arg6[%dma_start3A_30, %dma_start3A_31] : memref<10000x16xf32, #tpu.memory_space<vmem_shared>> -> memref<10000x16xf32, #tpu.memory_space<vmem_shared>>
          tpu.enqueue_indirect_dma source(%arg8 : memref<125x16xf32, #tpu.memory_space<vmem>>) target(%dma_start3A_32 : memref<10000x16xf32, #tpu.memory_space<vmem_shared>>) offsets(%dma_start3A_29 : memref<125xi32, #tpu.memory_space<vmem>>) semaphore(%run_scoped3A : memref<!tpu.dma_semaphore, #tpu.memory_space<semaphore_mem>>) {add = true}
          %dma_wait3A = arith.constant 0 : i32
          %dma_wait3A_33 = tpu.memref_slice %arg7[%add3A_27, %dma_wait3A] : memref<8x125xi32, #tpu.memory_space<vmem>> -> memref<1x125xi32, #tpu.memory_space<vmem>>
          %dma_wait3A_34 = tpu.memref_squeeze %dma_wait3A_33 : memref<1x125xi32, #tpu.memory_space<vmem>> -> memref<125xi32, #tpu.memory_space<vmem>>
          %dma_wait3A_35 = arith.constant 0 : i32
          %dma_wait3A_36 = arith.constant 0 : i32
          %dma_wait3A_37 = tpu.memref_slice %arg6[%dma_wait3A_35, %dma_wait3A_36] : memref<10000x16xf32, #tpu.memory_space<vmem_shared>> -> memref<10000x16xf32, #tpu.memory_space<vmem_shared>>
          tpu.wait_indirect_dma semaphore(%run_scoped3A : memref<!tpu.dma_semaphore, #tpu.memory_space<semaphore_mem>>) src(%arg8 : memref<125x16xf32, #tpu.memory_space<vmem>>) dst(%dma_wait3A_37 : memref<10000x16xf32, #tpu.memory_space<vmem_shared>>)
          tpu.yield
        }) : () -> ()
      }
      %scan3A_22 = arith.constant 8 : i32
    }
    %scan3A_6 = arith.constant 10 : i32
    %barrier3A_7 = arith.constant 0 : index
    tpu.barrier barrier_id(%barrier3A_7)
    %eq3A_8 = arith.constant 0 : i32
    %eq3A_9 = arith.cmpi eq, %arg1, %eq3A_8 : i32
    %convert_element_type3A_10 = arith.extui %eq3A_9 : i1 to i32
    %cond3A_11 = arith.constant 0 : i32
    %cond3A_12 = arith.cmpi ne, %convert_element_type3A_10, %cond3A_11 : i32
    scf.if %cond3A_12 {
      "tpu.region"() ({
        %run_scoped3A = tpu.sem_alloc : memref<!tpu.dma_semaphore, #tpu.memory_space<semaphore_mem>>
        %dma_start3A = arith.constant 0 : i32
        %dma_start3A_13 = arith.constant 0 : i32
        %dma_start3A_14 = tpu.memref_slice %arg5[%arg0, %dma_start3A, %dma_start3A_13] : memref<2x10000x16xf32, #tpu.memory_space<hbm>> -> memref<1x10000x16xf32, #tpu.memory_space<hbm>>
        %dma_start3A_15 = tpu.memref_squeeze %dma_start3A_14 : memref<1x10000x16xf32, #tpu.memory_space<hbm>> -> memref<10000x16xf32, #tpu.memory_space<hbm>>
        tpu.enqueue_dma source(%arg6 : memref<10000x16xf32, #tpu.memory_space<vmem_shared>>) target(%dma_start3A_15 : memref<10000x16xf32, #tpu.memory_space<hbm>>) target_semaphore(%run_scoped3A : memref<!tpu.dma_semaphore, #tpu.memory_space<semaphore_mem>>)
        %dma_wait3A = arith.constant 0 : i32
        %dma_wait3A_16 = arith.constant 0 : i32
        %dma_wait3A_17 = tpu.memref_slice %arg5[%arg0, %dma_wait3A, %dma_wait3A_16] : memref<2x10000x16xf32, #tpu.memory_space<hbm>> -> memref<1x10000x16xf32, #tpu.memory_space<hbm>>
        %dma_wait3A_18 = tpu.memref_squeeze %dma_wait3A_17 : memref<1x10000x16xf32, #tpu.memory_space<hbm>> -> memref<10000x16xf32, #tpu.memory_space<hbm>>
        tpu.wait_dma2 semaphore(%run_scoped3A : memref<!tpu.dma_semaphore, #tpu.memory_space<semaphore_mem>>) src(%arg6 : memref<10000x16xf32, #tpu.memory_space<vmem_shared>>) dst(%dma_wait3A_18 : memref<10000x16xf32, #tpu.memory_space<hbm>>)
        tpu.yield
      }) : () -> ()
    } else {
    }
    return
  }
}

</mosaic_0001>

<sc_bundles>
// kernel: _deg.3.cloned.1.call-start
scs
__scs_entry_jumppad:
0x0: {  	(pc) =	sbr.rel $0x88, $3  }
0x1: {  	(tag) =	ssettag $0x0;
	lr =	simm.s32 $0x1  }
0x2: {  	[smem:$0x3F9E] =	sst lr;
	_ =	strace $0xD0000000  }
0x3: {  	_ = 	snop  }
0x4: {  	_ = 	snop  }
0x5: {  	_ = 	snop  }
0x6: {  	_ = 	snop  }
0x7: {  	_ = 	snop  }
__scs_overlays_trampoline_lowered:
0x8: {  	[smem:$0x3FAD] =	sst s0  }
0x9: {  	[smem:$0x3FAE] =	sst s1  }
0xa: {  	[smem:$0x3FAF] =	sst s2  }
0xb: {  	[smem:$0x3FB0] =	sst s3  }
0xc: {  	[smem:$0x3FB1] =	sst s4  }
0xd: {  	[smem:$0x3FB2] =	sst s5  }
0xe: {  	[smem:$0x3FB3] =	sst s6  }
0xf: {  	[smem:$0x3FB4] =	sst s7  }
0x10: {  	[smem:$0x3FB5] =	sst s8  }
0x11: {  	[smem:$0x3FB6] =	sst s9;
	s0 =	simm.s32 @!p0 $0x0  }
0x12: {  	s1 =	sld [smem:$0x3F9C];
	s0 =	simm.s32 @p0 $0x1  }
0x13: {  	[smem:$0x3FB7] =	sst s0;
	s0 =	simm.s32 @!p1 $0x0  }
0x14: {  	s2 =	sld [smem:$0x3F9B];
	s0 =	simm.s32 @p1 $0x1  }
0x15: {  	[smem:$0x3FB8] =	sst s0;
	s0 =	simm.s32 @!p2 $0x0  }
0x16: {  	s3 =	sld [smem:$0x3FDB];
	s0 =	simm.s32 @p2 $0x1  }
0x17: {  	s4 =	simm.s32 $0x1BF5;
	[smem:$0x3FBA] =	sst s0  }
0x18: {  	s0 =	sld [smem:$0x3F9D];
	_ =	swait.ge [sflag:s4], $0x0  }
0x19: {  	s7 =	sld [smem:$0x3F9E]  }
0x1a: {  	s8 =	sadd.s32 $0xFFFFE003, lr  }
0x1b: {  	s9 =	sadd.s32 $0xFFFFFEF7, lr;
	s5 =	simm.s32 $0xFFFFFFFF;
	p2 =	slt.u32 s8, $0xFFFFF086  }
0x1c: {  	p1 =	slt.u32 s9, $0xF7A;
	s5 =	simm.s32 @!p2 $0x0  }
0x1d: {  	s5 =	simm.s32 @p1 $0x1;
	p0 =	seq.s32 s7, s2  }
0x1e: {  	s7 =	smul.u32 @!p0 $0xF7A, s2;
	p2 =	seq.s32 @!p0 s5, $0x0  }
0x1f: {  	s9 =	smul.u32 $0xF7A, s1;
	s8 =	simm.s32 @!p0 $0x1BF5;
	p2 =	por !p2, p0  }
0x20: {  	[sflag:s8] =	ssyncset.s32 @!p0 $0xFFFFF086;
	s6 =	sadd.s32 @!p0 s3, s7;
	s7 =	simm.s32 @!p0 $0x108  }
0x21: {  	s3 =	sadd.s32 s3, s9;
	s6 =	sadd.s32 @!p0 $0x88, s6;
	s7 =	simm.s32 @p2 $0x1082  }
0x22: {  	[simem:s7], [sflag:s8] =	dma.local @!p0 [hbm:s6], $0xF7A  }
0x23: {  	s9 =	sor.u32 $0xD0000000, s2;
	s6 =	simm.s32 $0x108;
	_ =	swait.ge @!p0 [sflag:s8], $0x0  }
0x24: {  	s3 =	sadd.s32 $0x88, s3;
	s6 =	simm.s32 @!p1 $0x1082;
	[sflag:s4] =	ssyncset.s32 $0xFFFFF086  }
0x25: {  	[simem:s6], [sflag:s4] =	dma.local [hbm:s3], $0xF7A  }
0x26: {  	[smem:$0x3F9E] =	sst s1;
	(tag) =	ssettag s2;
	_ =	strace s9  }
0x27: {  	s1 =	sld [smem:$0x3FAE]  }
0x28: {  	s2 =	sld [smem:$0x3FAF]  }
0x29: {  	s4 =	sld [smem:$0x3FB1]  }
0x2a: {  	p0 =	seq.s32 s5, $0x0;
	s5 =	sld [smem:$0x3FB2]  }
0x2b: {  	s6 =	sld [smem:$0x3FB3]  }
0x2c: {  	s7 =	sld [smem:$0x3FB4]  }
0x2d: {  	s3 =	simm.s32 $0x108;
	s8 =	sld [smem:$0x3FB5]  }
0x2e: {  	s3 =	simm.s32 @!p0 $0x1082;
	s9 =	sld [smem:$0x3FB6]  }
0x2f: {  	lr =	sadd.s32 s0, s3;
	s0 =	sld [smem:$0x3FAD]  }
0x30: {  	s3 =	sld [smem:$0x3FB0]  }
0x31: {  	[smem:$0x3FB9] =	sst s10  }
0x32: {  	s10 =	sld [smem:$0x3FB7];
	_ =	sdelay $0x3  }
0x33: {  	p0 =	seq.s32 s10, $0x1;
	s10 =	sld [smem:$0x3FB9];
	_ =	sdelay $0x3  }
0x34: {  	[smem:$0x3FB9] =	sst s10  }
0x35: {  	s10 =	sld [smem:$0x3FB8];
	_ =	sdelay $0x3  }
0x36: {  	p1 =	seq.s32 s10, $0x1;
	s10 =	sld [smem:$0x3FB9];
	_ =	sdelay $0x3  }
0x37: {  	[smem:$0x3FB9] =	sst s10  }
0x38: {  	s10 =	sld [smem:$0x3FBA]  }
0x39: {  	_ = 	snop;
	(pc) =	sbr.ind lr, $3  }
0x3a: {  	_ = 	snop  }
0x3b: {  	_ = 	snop  }
0x3c: {  	p2 =	seq.s32 s10, $0x1;
	s10 =	sld [smem:$0x3FB9]  }
0x3d: {  	_ =	shalt  }
0x3e: {  	_ =	shalt  }
0x3f: {  	_ =	shalt  }
0x40: {  	_ =	shalt  }
0x41: {  	_ =	shalt  }
0x42: {  	_ =	shalt  }
0x43: {  	_ =	shalt  }
0x44: {  	_ =	shalt  }
0x45: {  	_ =	shalt  }
0x46: {  	_ =	shalt  }
0x47: {  	_ =	shalt  }
0x48: {  	_ =	shalt  }
0x49: {  	_ =	shalt  }
0x4a: {  	_ =	shalt  }
0x4b: {  	_ =	shalt  }
0x4c: {  	_ =	shalt  }
0x4d: {  	_ =	shalt  }
0x4e: {  	_ =	shalt  }
0x4f: {  	_ =	shalt  }
0x50: {  	_ =	shalt  }
0x51: {  	_ =	shalt  }
0x52: {  	_ =	shalt  }
0x53: {  	_ =	shalt  }
0x54: {  	_ =	shalt  }
0x55: {  	_ =	shalt  }
0x56: {  	_ =	shalt  }
0x57: {  	_ =	shalt  }
0x58: {  	_ =	shalt  }
0x59: {  	_ =	shalt  }
0x5a: {  	_ =	shalt  }
0x5b: {  	_ =	shalt  }
0x5c: {  	_ =	shalt  }
0x5d: {  	_ =	shalt  }
0x5e: {  	_ =	shalt  }
0x5f: {  	_ =	shalt  }
0x60: {  	_ =	shalt  }
0x61: {  	_ =	shalt  }
0x62: {  	_ =	shalt  }
0x63: {  	_ =	shalt  }
0x64: {  	_ =	shalt  }
0x65: {  	_ =	shalt  }
0x66: {  	_ =	shalt  }
0x67: {  	_ =	shalt  }
0x68: {  	_ =	shalt  }
0x69: {  	_ =	shalt  }
0x6a: {  	_ =	shalt  }
0x6b: {  	_ =	shalt  }
0x6c: {  	_ =	shalt  }
0x6d: {  	_ =	shalt  }
0x6e: {  	_ =	shalt  }
0x6f: {  	_ =	shalt  }
0x70: {  	_ =	shalt  }
0x71: {  	_ =	shalt  }
0x72: {  	_ =	shalt  }
0x73: {  	_ =	shalt  }
0x74: {  	_ =	shalt  }
0x75: {  	_ =	shalt  }
0x76: {  	_ =	shalt  }
0x77: {  	_ =	shalt  }
0x78: {  	_ =	shalt  }
0x79: {  	_ =	shalt  }
0x7a: {  	_ =	shalt  }
0x7b: {  	_ =	shalt  }
0x7c: {  	_ =	shalt  }
0x7d: {  	_ =	shalt  }
0x7e: {  	_ =	shalt  }
0x7f: {  	_ =	shalt  }
0x80: {  	_ =	shalt  }
0x81: {  	_ =	shalt  }
0x82: {  	_ =	shalt  }
0x83: {  	_ =	shalt  }
0x84: {  	_ =	shalt  }
0x85: {  	_ =	shalt  }
0x86: {  	_ =	shalt  }
0x87: {  	_ =	shalt  }
.Lfunc_end0:
.L_simem_size_0:
called_computation_lowered:
.L_overlay_start_0:
0x88: {  	s2 =	sld [smem:$0x3FD9]  }
0x89: {  	s3 =	sld [smem:$0x3FFE];
	_ =	sdelay $0x1  }
0x8a: {  	s1 =	srdreg.scid  }
0x8b: {  	s0 =	sand.u32 $0x1, s1  }
0x8c: {  	s17 =	sshll.u32 s0, $0xA;
	s2 =	sadd.s32 s3, s2  }
0x8d: {  	s2 =	sadd.s32 s2, s17  }
0x8e: {  	[smem:$0x3FC5] =	sst s2  }
0x8f: {  	_ = 	snop  }
0x90: {  	s2 =	sld [smem:$0x3FD0];
	(tm) =	ssettm $0x1  }
0x91: {  	s18 =	sld [smem:$0x3FFB];
	_ =	sdelay $0x3  }
0x92: {  	_ =	strace s18  }
0x93: {  	s3 =	sld [smem:$0x3FFC];
	_ =	sdelay $0x3  }
0x94: {  	_ =	strace s3  }
0x95: {  	s3 =	sld [smem:$0x3FFD];
	_ =	sdelay $0x3  }
0x96: {  	_ =	strace s3  }
0x97: {  	_ =	strace $0x8FFFFFFF  }
0x98: {  	s19 =	sld [smem:$0x3FDB];
	_ =	sdelay $0x1  }
0x99: {  	s4 =	simm.s32 $_scs_section_size  }
0x9a: {  	s5 =	simm.s32 $_size__tile_overlayer_lowered;
	s6 =	simm.s32 $_tile_overlayer_lowered  }
0x9b: {  	s22 =	simm.s32 $0x1BFF;
	s21 =	sshll.u32 s6, $0x1;
	s3 =	sadd.s32 s4, s19  }
0x9c: {  	s7 =	simm.s32 $0x0;
	s20 =	sshll.u32 s5, $0x1;
	s5 =	sadd.s32 s21, s3  }
0x9d: {  	[timem:s7], [sflag:s22] =	dma.local [hbm:s5], s20  }
0x9e: {  	_ =	swait.ge [sflag:s22], s20  }
0x9f: {  	s4 =	ssub.s32 $0x0, s20;
	[sflag:s22] =	ssyncset.done $0x0  }
0xa0: {  	[sflag:s22] =	ssyncadd.s32 s4;
	_ =	sdelay $0x1  }
0xa1: {  	s23 =	simm.s32 $0x1B8B  }
0xa2: {  	_ =	swait.ge [sflag:s23], $0x1  }
0xa3: {  	[sflag:s23] =	ssyncset.done $0x0  }
0xa4: {  	s25 =	simm.s32 $0x1B8E;
	s24 =	sld [smem:$0x3FFE];
	[sflag:s23] =	ssyncadd.s32 $0xFFFFFFFF  }
0xa5: {  	s26 =	simm.s32 $execute0_lowered;
	[smem:$0x3FD2] =	sst s25  }
0xa6: {  	s5 =	sshll.u32 s26, $0x1;
	_ =	strace $0x80000046;
	[dreg:$0x1] =	wrdreg $0xFFFFFFFF  }
0xa7: {  	s28 =	simm.s32 $_size_execute0_lowered;
	s3 =	sadd.s32 s3, s5;
	[dreg:$0x0] =	wrdreg $0x0  }
0xa8: {  	s5 =	sshll.u32 s28, $0x1;
	[dreg:$0x2] =	wrdreg s3  }
0xa9: {  	[dreg:$0x3] =	wrdreg s5  }
0xaa: {  	[dreg:$0x4] =	wrdreg $0xC0  }
0xab: {  	_ =	task [dreg:s7], $0x5FFFF  }
0xac: {  	[dreg:$0x1] =	wrdreg $0xFFFFFFFF  }
0xad: {  	[dreg:$0x0] =	wrdreg $0x60  }
0xae: {  	[dreg:$0x2] =	wrdreg s24  }
0xaf: {  	[dreg:$0x3] =	wrdreg s2  }
0xb0: {  	[dreg:$0x4] =	wrdreg $0x0  }
0xb1: {  	[dreg:$0x5] =	wrdreg $0x9  }
0xb2: {  	_ =	task.clear_ibuf [dreg:s7], $0x6FFFF;
	_ =	strace $0x90000046  }
0xb3: {  	s29 =	simm.s32 $0x9;
	_ =	strace $0x80000048  }
0xb4: {  	_ =	swait.ge [sflag:s29], $0x1  }
0xb5: {  	[sflag:s29] =	ssyncadd.s32 $0xFFFFFFFF  }
0xb6: {  	_ =	strace $0x90000048  }
0xb7: {  	_ =	sfence  }
0xb8: {  	s30 =	sld [smem:$0x0];
	_ =	sdelay $0x2  }
0xb9: {  	s31 =	sshll.u32 s1, $0xD;
	s1 =	sshrl.u32 s1, $0x2  }
0xba: {  	s3 =	sand.u32 $0x4000, s31;
	s1 =	sadd.s32 s1, s30  }
0xbb: {  	s0 =	sor.u32 s3, s0;
	s1 =	sshll.u32 s1, $0x11  }
0xbc: {  	s0 =	sor.u32 s1, s0  }
0xbd: {  	s0 =	sadd.s32 $0x8F2B, s0  }
0xbe: {  	[sflag:s0] =	ssyncadd.remote.s32 $0x1  }
0xbf: {  	_ =	sfence.sel $0xFFFF  }
0xc0: {  	[dreg:$0x0] =	wrdreg $0xFFFFFFFF;
	(pc) =	sbr.abs _section_cstart, $3  }
0xc1: {  	[dreg:$0x1] =	wrdreg $0xFFFFFFFF  }
0xc2: {  	_ =	task.clear_ibuf [dreg:s7], $0x2FFFF;
	_ =	strace $0x9FFFFFFF  }
0xc3: {  	(tm) =	ssettm $0x7FFFFFFF  }
tec
execute0_lowered:
.L_overlay_start_1:
0x0: {  	(tag) =	ssettag $0x1  }
0x1: {  	s4 =	rddreg [dreg:$0x0]  }
0x2: {  	s0 =	srdreg.scid;
	s5 =	rddreg [dreg:$0x1]  }
0x3: {  	s6 =	stileid.u32;
	s1 =	rddreg [dreg:$0x2]  }
0x4: {  	s2 =	simm.s32 $0x0;
	s11 =	simm.s32 $0x2710;
	s12 =	simm.s32 $0x7D  }
0x5: {  	s13 =	simm.s32 $0x2790;
	s14 =	simm.s32 $0x2810;
	s15 =	simm.s32 $0x2890  }
0x6: {  	s16 =	simm.s32 $0x2910;
	s17 =	simm.s32 $0x2990;
	s18 =	simm.s32 $0x2A10  }
0x7: {  	s19 =	simm.s32 $0x2A90;
	s3 =	sand.u32 $0x1, s0;
	s0 =	rddreg [dreg:$0x3]  }
0x8: {  	s20 =	simm.s32 $0x0;
	s8 =	smul.u32 $0x2800, s6;
	[smem:$0x7FF] =	sst s2  }
0x9: {  	p0 =	sne.s32 s6, $0x0;
	s7 =	smul.u32 $0x28000, s3;
	s31 =	ssub.s32 $0x2, s3  }
0xa: {  	_ =	strace $0x80000047;
	s9 =	smul.u32 $0x4E20, s3;
	s10 =	sshrl.u32 s31, $0x1  }
0xb: {  	s3 =	sadd.s32 $0x800, s4;
	s7 =	sadd.s32 s8, s7;
	s8 =	ssub.s32 s31, s10  }
0xc: {  	s5 =	sadd.s32 s5, s9;
	s9 =	simm.s32 $0x2B10;
	s7 =	sshrl.u32 s7, $0x3  }
0xd: {  	s10 =	simm.s32 $0x1;
	s6 =	smax.u32 s8, $0x1;
	s7 =	sadd.s32 s7, s4  }
0xe: {  	s8 =	sshrl.u32 @!p0 s1, $0x3;
	s4 =	sadd.s32 $0x600, s4;
	s7 =	sadd.s32 $0x5800, s7  }
.LBB2_1:
0xf: {  	s21 =	simm.s32 @!p0 $0x1C01  }
0x10: {  	[spmem:s8], [sflag:s21] =	dma.local @!p0 [hbm:s3], $0x4E20  }
0x11: {  	s21 =	simm.s32 @!p0 $0x1  }
0x12: {  	_ =	swait.ge @!p0 [sflag:s21], $0x4E20  }
0x13: {  	[sflag:s21] =	ssyncset.done @!p0 $0x0  }
0x14: {  	[sflag:s21] =	ssyncadd.s32 @!p0 $0xFFFFB1E0  }
0x15: {  	[tilespmem:s9], [sflag:$0x1] =	stream.linear.gather [hbm4b:s4+s2], $0x7D0, $0x38;
	[tilespmem:$0x32E0] =	vst v63  }
0x16: {  	_ =	swait.ge [sflag:s10], $0x7D0  }
0x17: {  	[sflag:s10] =	ssyncset.done $0x0  }
0x18: {  	[sflag:s10] =	ssyncadd.s32 $0xFFFFF830  }
0x19: {  	s31 =	sadd.s32 $0x0, s7;
	[bflag:$0x0] =	sbarrier.arrive $0xFFFF  }
0x1a: {  	[tilespmem:s11], [sflag:$0x1] =	stream.linear.gather [hbm4b:s31+s2], $0x400, $0x38;
	[tilespmem:$0x32E0] =	vst v63  }
0x1b: {  	_ =	swait.ge [sflag:s10], $0x400  }
0x1c: {  	[sflag:s10] =	ssyncset.done $0x0  }
0x1d: {  	[sflag:s10] =	ssyncadd.s32 $0xFFFFFC00  }
0x1e: {  	[spmem:s1] =	stream.indirect.scatter.add.f32 [tilespmem:s9], [sflag:$0x1], $0x10, s11, s12, $0xb8;
	[tilespmem:$0x32E0] =	vst v63  }
0x1f: {  	_ =	swait.ge [sflag:s10], $0x7D0  }
0x20: {  	[sflag:s10] =	ssyncset.done $0x0  }
0x21: {  	[sflag:s10] =	ssyncadd.s32 $0xFFFFF830  }
0x22: {  	[spmem:s1] =	stream.indirect.scatter.add.f32 [tilespmem:s9], [sflag:$0x1], $0x10, s13, s12, $0xb8;
	[tilespmem:$0x32E0] =	vst v63  }
0x23: {  	_ =	swait.ge [sflag:s10], $0x7D0  }
0x24: {  	[sflag:s10] =	ssyncset.done $0x0  }
0x25: {  	[sflag:s10] =	ssyncadd.s32 $0xFFFFF830  }
0x26: {  	[spmem:s1] =	stream.indirect.scatter.add.f32 [tilespmem:s9], [sflag:$0x1], $0x10, s14, s12, $0xb8;
	[tilespmem:$0x32E0] =	vst v63  }
0x27: {  	_ =	swait.ge [sflag:s10], $0x7D0  }
0x28: {  	[sflag:s10] =	ssyncset.done $0x0  }
0x29: {  	[sflag:s10] =	ssyncadd.s32 $0xFFFFF830  }
0x2a: {  	[spmem:s1] =	stream.indirect.scatter.add.f32 [tilespmem:s9], [sflag:$0x1], $0x10, s15, s12, $0xb8;
	[tilespmem:$0x32E0] =	vst v63  }
0x2b: {  	_ =	swait.ge [sflag:s10], $0x7D0  }
0x2c: {  	[sflag:s10] =	ssyncset.done $0x0  }
0x2d: {  	[sflag:s10] =	ssyncadd.s32 $0xFFFFF830  }
0x2e: {  	[spmem:s1] =	stream.indirect.scatter.add.f32 [tilespmem:s9], [sflag:$0x1], $0x10, s16, s12, $0xb8;
	[tilespmem:$0x32E0] =	vst v63  }
0x2f: {  	_ =	swait.ge [sflag:s10], $0x7D0  }
0x30: {  	[sflag:s10] =	ssyncset.done $0x0  }
0x31: {  	[sflag:s10] =	ssyncadd.s32 $0xFFFFF830  }
0x32: {  	[spmem:s1] =	stream.indirect.scatter.add.f32 [tilespmem:s9], [sflag:$0x1], $0x10, s17, s12, $0xb8;
	[tilespmem:$0x32E0] =	vst v63  }
0x33: {  	_ =	swait.ge [sflag:s10], $0x7D0  }
0x34: {  	[sflag:s10] =	ssyncset.done $0x0  }
0x35: {  	[sflag:s10] =	ssyncadd.s32 $0xFFFFF830  }
0x36: {  	[spmem:s1] =	stream.indirect.scatter.add.f32 [tilespmem:s9], [sflag:$0x1], $0x10, s18, s12, $0xb8;
	[tilespmem:$0x32E0] =	vst v63  }
0x37: {  	_ =	swait.ge [sflag:s10], $0x7D0  }
0x38: {  	[sflag:s10] =	ssyncset.done $0x0  }
0x39: {  	[sflag:s10] =	ssyncadd.s32 $0xFFFFF830  }
0x3a: {  	[spmem:s1] =	stream.indirect.scatter.add.f32 [tilespmem:s9], [sflag:$0x1], $0x10, s19, s12, $0xb8;
	[tilespmem:$0x32E0] =	vst v63  }
0x3b: {  	_ =	swait.ge [sflag:s10], $0x7D0  }
0x3c: {  	s23 =	simm.s32 $0x100;
	s21 =	simm.s32 $0x80;
	[sflag:s10] =	ssyncset.done $0x0  }
.LBB2_2:
0x3d: {  	s24 =	sadd.s32 s21, s7  }
0x3e: {  	[sflag:s10] =	ssyncadd.s32 $0xFFFFF830;
	s21 =	smov.u32 s23;
	s22 =	sadd.s32 $0x80, s23  }
0x3f: {  	[tilespmem:s11], [sflag:$0x1] =	stream.linear.gather [hbm4b:s24+s2], $0x400, $0x38;
	[tilespmem:$0x32E0] =	vst v63  }
0x40: {  	p1 =	sne.s32 s23, $0x480;
	_ =	swait.ge [sflag:s10], $0x400  }
0x41: {  	[sflag:s10] =	ssyncset.done $0x0  }
0x42: {  	[sflag:s10] =	ssyncadd.s32 $0xFFFFFC00  }
0x43: {  	[spmem:s1] =	stream.indirect.scatter.add.f32 [tilespmem:s9], [sflag:$0x1], $0x10, s11, s12, $0xb8;
	[tilespmem:$0x32E0] =	vst v63  }
0x44: {  	_ =	swait.ge [sflag:s10], $0x7D0  }
0x45: {  	[sflag:s10] =	ssyncset.done $0x0  }
0x46: {  	[sflag:s10] =	ssyncadd.s32 $0xFFFFF830  }
0x47: {  	[spmem:s1] =	stream.indirect.scatter.add.f32 [tilespmem:s9], [sflag:$0x1], $0x10, s13, s12, $0xb8;
	[tilespmem:$0x32E0] =	vst v63  }
0x48: {  	_ =	swait.ge [sflag:s10], $0x7D0  }
0x49: {  	[sflag:s10] =	ssyncset.done $0x0  }
0x4a: {  	[sflag:s10] =	ssyncadd.s32 $0xFFFFF830  }
0x4b: {  	[spmem:s1] =	stream.indirect.scatter.add.f32 [tilespmem:s9], [sflag:$0x1], $0x10, s14, s12, $0xb8;
	[tilespmem:$0x32E0] =	vst v63  }
0x4c: {  	_ =	swait.ge [sflag:s10], $0x7D0  }
0x4d: {  	[sflag:s10] =	ssyncset.done $0x0  }
0x4e: {  	[sflag:s10] =	ssyncadd.s32 $0xFFFFF830  }
0x4f: {  	[spmem:s1] =	stream.indirect.scatter.add.f32 [tilespmem:s9], [sflag:$0x1], $0x10, s15, s12, $0xb8;
	[tilespmem:$0x32E0] =	vst v63  }
0x50: {  	_ =	swait.ge [sflag:s10], $0x7D0  }
0x51: {  	[sflag:s10] =	ssyncset.done $0x0  }
0x52: {  	[sflag:s10] =	ssyncadd.s32 $0xFFFFF830  }
0x53: {  	[spmem:s1] =	stream.indirect.scatter.add.f32 [tilespmem:s9], [sflag:$0x1], $0x10, s16, s12, $0xb8;
	[tilespmem:$0x32E0] =	vst v63  }
0x54: {  	_ =	swait.ge [sflag:s10], $0x7D0  }
0x55: {  	[sflag:s10] =	ssyncset.done $0x0  }
0x56: {  	[sflag:s10] =	ssyncadd.s32 $0xFFFFF830  }
0x57: {  	[spmem:s1] =	stream.indirect.scatter.add.f32 [tilespmem:s9], [sflag:$0x1], $0x10, s17, s12, $0xb8;
	[tilespmem:$0x32E0] =	vst v63  }
0x58: {  	_ =	swait.ge [sflag:s10], $0x7D0  }
0x59: {  	[sflag:s10] =	ssyncset.done $0x0  }
0x5a: {  	[sflag:s10] =	ssyncadd.s32 $0xFFFFF830  }
0x5b: {  	[spmem:s1] =	stream.indirect.scatter.add.f32 [tilespmem:s9], [sflag:$0x1], $0x10, s18, s12, $0xb8;
	[tilespmem:$0x32E0] =	vst v63  }
0x5c: {  	_ =	swait.ge [sflag:s10], $0x7D0  }
.Ltmp0:
0x5d: {  	[sflag:s10] =	ssyncset.done $0x0;
	(pc) =	sbr.rel @p1 .LBB2_2-.Ltmp0, $4  }
0x5e: {  	[sflag:s10] =	ssyncadd.s32 $0xFFFFF830  }
0x5f: {  	[spmem:s1] =	stream.indirect.scatter.add.f32 [tilespmem:s9], [sflag:$0x1], $0x10, s19, s12, $0xb8;
	[tilespmem:$0x32E0] =	vst v63  }
0x60: {  	_ =	swait.ge [sflag:s10], $0x7D0  }
0x61: {  	s23 =	smov.u32 s22;
	[sflag:s10] =	ssyncset.done $0x0  }
0x62: {  	s21 =	sadd.s32 s21, s7;
	[sflag:s10] =	ssyncadd.s32 $0xFFFFF830  }
0x63: {  	[tilespmem:s11], [sflag:$0x1] =	stream.linear.gather [hbm4b:s21+s2], $0x400, $0x38;
	[tilespmem:$0x32E0] =	vst v63  }
0x64: {  	_ =	swait.ge [sflag:s10], $0x400  }
0x65: {  	[sflag:s10] =	ssyncset.done $0x0  }
0x66: {  	[sflag:s10] =	ssyncadd.s32 $0xFFFFFC00  }
0x67: {  	[spmem:s1] =	stream.indirect.scatter.add.f32 [tilespmem:s9], [sflag:$0x1], $0x10, s11, s12, $0xb8;
	[tilespmem:$0x32E0] =	vst v63  }
0x68: {  	_ =	swait.ge [sflag:s10], $0x7D0  }
0x69: {  	[sflag:s10] =	ssyncset.done $0x0  }
0x6a: {  	[sflag:s10] =	ssyncadd.s32 $0xFFFFF830  }
0x6b: {  	[spmem:s1] =	stream.indirect.scatter.add.f32 [tilespmem:s9], [sflag:$0x1], $0x10, s13, s12, $0xb8;
	[tilespmem:$0x32E0] =	vst v63  }
0x6c: {  	_ =	swait.ge [sflag:s10], $0x7D0  }
0x6d: {  	[sflag:s10] =	ssyncset.done $0x0  }
0x6e: {  	[sflag:s10] =	ssyncadd.s32 $0xFFFFF830  }
0x6f: {  	[spmem:s1] =	stream.indirect.scatter.add.f32 [tilespmem:s9], [sflag:$0x1], $0x10, s14, s12, $0xb8;
	[tilespmem:$0x32E0] =	vst v63  }
0x70: {  	_ =	swait.ge [sflag:s10], $0x7D0  }
0x71: {  	[sflag:s10] =	ssyncset.done $0x0  }
0x72: {  	[sflag:s10] =	ssyncadd.s32 $0xFFFFF830  }
0x73: {  	[spmem:s1] =	stream.indirect.scatter.add.f32 [tilespmem:s9], [sflag:$0x1], $0x10, s15, s12, $0xb8;
	[tilespmem:$0x32E0] =	vst v63  }
0x74: {  	_ =	swait.ge [sflag:s10], $0x7D0  }
0x75: {  	[sflag:s10] =	ssyncset.done $0x0  }
0x76: {  	[sflag:s10] =	ssyncadd.s32 $0xFFFFF830  }
0x77: {  	[spmem:s1] =	stream.indirect.scatter.add.f32 [tilespmem:s9], [sflag:$0x1], $0x10, s16, s12, $0xb8;
	[tilespmem:$0x32E0] =	vst v63  }
0x78: {  	_ =	swait.ge [sflag:s10], $0x7D0  }
0x79: {  	[sflag:s10] =	ssyncset.done $0x0  }
0x7a: {  	[sflag:s10] =	ssyncadd.s32 $0xFFFFF830  }
0x7b: {  	[spmem:s1] =	stream.indirect.scatter.add.f32 [tilespmem:s9], [sflag:$0x1], $0x10, s17, s12, $0xb8;
	[tilespmem:$0x32E0] =	vst v63  }
0x7c: {  	_ =	swait.ge [sflag:s10], $0x7D0  }
0x7d: {  	[sflag:s10] =	ssyncset.done $0x0  }
0x7e: {  	[sflag:s10] =	ssyncadd.s32 $0xFFFFF830  }
0x7f: {  	[spmem:s1] =	stream.indirect.scatter.add.f32 [tilespmem:s9], [sflag:$0x1], $0x10, s18, s12, $0xb8;
	[tilespmem:$0x32E0] =	vst v63  }
0x80: {  	_ =	swait.ge [sflag:s10], $0x7D0  }
0x81: {  	[sflag:s10] =	ssyncset.done $0x0  }
0x82: {  	[sflag:s10] =	ssyncadd.s32 $0xFFFFF830  }
0x83: {  	[spmem:s1] =	stream.indirect.scatter.add.f32 [tilespmem:s9], [sflag:$0x1], $0x10, s19, s12, $0xb8;
	[tilespmem:$0x32E0] =	vst v63  }
0x84: {  	_ =	swait.ge [sflag:s10], $0x7D0  }
0x85: {  	[sflag:s10] =	ssyncset.done $0x0  }
0x86: {  	s20 =	sadd.s32 $0x1, s20;
	[sflag:s10] =	ssyncadd.s32 $0xFFFFF830  }
0x87: {  	s21 =	simm.s32 @!p0 $0x1C01;
	p1 =	sne.s32 s20, s6;
	[bflag:$0x0] =	sbarrier.arrive $0xFFFF  }
0x88: {  	[hbm:s5], [sflag:s21] =	dma.local @!p0 [spmem:s8], $0x4E20  }
.Ltmp1:
0x89: {  	_ = 	snop;
	(pc) =	sbr.rel @p1 .LBB2_1-.Ltmp1, $4  }
0x8a: {  	s21 =	simm.s32 @!p0 $0x1  }
0x8b: {  	_ =	swait.ge @!p0 [sflag:s21], $0x4E20  }
0x8c: {  	[sflag:s21] =	ssyncset.done @!p0 $0x0  }
0x8d: {  	[sflag:s21] =	ssyncadd.s32 @!p0 $0xFFFFB1E0  }
0x8e: {  	_ =	sfence.sel $0x180000  }
0x8f: {  	[bflag:$0x0] =	sbarrier.arrive $0xFFFF  }
0x90: {  	_ =	strace $0x90000047  }
0x91: {  	s0 =	sadd.s32 @!p0 $0x100000, s0;
	[bflag:$0x2] =	sbarrier.arrive $0xFFFF  }
0x92: {  	[sflag:s0] =	ssyncadd.tile.s32 @!p0 $0x1;
	_ =	shalt  }
.Lfunc_end2:
_tile_overlayer_lowered:
.L_overlay_start_2:
0x93: {  	(tag) =	ssettag $0x2  }
0x94: {  	s0 =	rddreg [dreg:$0x0];
	s2 =	stileid.u32  }
0x95: {  	s1 =	rddreg [dreg:$0x1];
	p0 =	sne.s32 s2, $0x0  }
0x96: {  	s3 =	rddreg [dreg:$0x2];
	[bflag:$0x3] =	sbarrier.arrive $0xFFFF;
	s2 =	simm.s32 @!p0 $0x1C01  }
0x97: {  	[timem:s3], [sflag:s2] =	dma.local @!p0 [hbm:s0], s1  }
0x98: {  	s0 =	simm.s32 @!p0 $0x1  }
0x99: {  	_ =	swait.ge @!p0 [sflag:s0], s1  }
0x9a: {  	s1 =	ssub.s32 @!p0 $0x0, s1;
	[sflag:s0] =	ssyncset.done @!p0 $0x0  }
0x9b: {  	[sflag:s0] =	ssyncadd.s32 @!p0 s1  }
0x9c: {  	[bflag:$0x3] =	sbarrier.arrive $0xFFFF  }
0x9d: {  	_ =	shalt  }

</sc_bundles>
